<compile_context>
chip_gen: v7x
topology: tpu7x:2x2x1
jax: 0.10.2.dev20260603
libtpu: 0.0.44.dev20260713+nightly
codegen_flags: <defaults>
</compile_context>

<pallas_src>
import functools

import jax
import jax.numpy as jnp
from jax import lax
from jax.experimental import pallas as pl
from jax.experimental.pallas import tpu as pltpu
from jax.experimental.pallas import tpu_sc as plsc

ACT_DIM = 100000
BATCH = 128
NIDX = 1000
CPAD = 1024
NW = 32
SLOTS_PER_W = CPAD // NW
SENTINEL = ACT_DIM


def _sc_gather(qt, idx):
  mesh = plsc.VectorSubcoreMesh(core_axis_name="c", subcore_axis_name="s")

  @functools.partial(
      pl.kernel,
      out_type=jax.ShapeDtypeStruct((CPAD, BATCH), jnp.float32),
      mesh=mesh,
      scratch_types=[
          pltpu.VMEM((SLOTS_PER_W,), jnp.int32),
          pltpu.VMEM((SLOTS_PER_W, BATCH), jnp.float32),
          pltpu.SemaphoreType.DMA,
      ],
      compiler_params=pltpu.CompilerParams(
          needs_layout_passes=False,
          use_tc_tiling_on_sc=True,
          skip_device_barrier=True,
      ),
  )
  def k(qt_hbm, idx_hbm, gt_hbm, idx_v, rows_v, sem):
    wid = lax.axis_index("s") * 2 + lax.axis_index("c")
    base = wid * SLOTS_PER_W

    @pl.when(wid < NW - 1)
    def _():
      pltpu.sync_copy(idx_hbm.at[pl.ds(base, SLOTS_PER_W)], idx_v)

    @pl.when(wid == NW - 1)
    def _():
      ntail = NIDX - (NW - 1) * SLOTS_PER_W
      pltpu.sync_copy(idx_hbm.at[pl.ds(NIDX - ntail, ntail)],
                      idx_v.at[pl.ds(0, ntail)])
      lane = lax.iota(jnp.int32, 16)
      head = idx_v[pl.ds(0, 16)]
      idx_v[pl.ds(0, 16)] = jnp.where(
          lane < ntail, head, jnp.int32(ACT_DIM - 1))
      idx_v[pl.ds(16, 16)] = jnp.full((16,), ACT_DIM - 1, jnp.int32)

    pltpu.async_copy(qt_hbm.at[idx_v], rows_v, sem).wait()
    pltpu.sync_copy(rows_v, gt_hbm.at[pl.ds(base, SLOTS_PER_W)])

  return k(qt, idx)


def _tf_rotl(x, d):
  return lax.shift_left(x, jnp.int32(d)) | lax.shift_right_logical(
      x, jnp.int32(32 - d))


def _tf_round4(x0, x1, rots):
  for r in rots:
    x0 = x0 + x1
    x1 = _tf_rotl(x1, r)
    x1 = x0 ^ x1
  return x0, x1


def _gumbel_bits(f):
  ks0 = jnp.int32(0)
  ks1 = jnp.int32(42)
  ks2 = jnp.int32(0x1BD11BDA ^ 42)
  rots_a = (13, 15, 26, 6)
  rots_b = (17, 29, 16, 24)
  x0 = jnp.zeros_like(f) + ks0
  x1 = f + ks1
  x0, x1 = _tf_round4(x0, x1, rots_a)
  x0 = x0 + ks1; x1 = x1 + ks2 + jnp.int32(1)
  x0, x1 = _tf_round4(x0, x1, rots_b)
  x0 = x0 + ks2; x1 = x1 + ks0 + jnp.int32(2)
  x0, x1 = _tf_round4(x0, x1, rots_a)
  x0 = x0 + ks0; x1 = x1 + ks1 + jnp.int32(3)
  x0, x1 = _tf_round4(x0, x1, rots_b)
  x0 = x0 + ks1; x1 = x1 + ks2 + jnp.int32(4)
  x0, x1 = _tf_round4(x0, x1, rots_a)
  x0 = x0 + ks2; x1 = x1 + ks0 + jnp.int32(5)
  return x0 ^ x1


def _gumbel(f):
  bits = _gumbel_bits(f)
  float_bits = lax.shift_right_logical(bits, jnp.int32(9)) | jnp.int32(
      0x3F800000)
  fl = lax.bitcast_convert_type(float_bits, jnp.float32) - jnp.float32(1.0)
  tiny = jnp.float32(1.1754944e-38)
  u = jnp.maximum(tiny, fl * (jnp.float32(1.0) - tiny) + tiny)
  return -jnp.log(-jnp.log(u))


def _tc_noise_body(idx_ref, idxc_ref, noise_ref, valid_ref):
  cidx = idx_ref[...]
  cidx_c = idxc_ref[...]
  pos_a = lax.broadcasted_iota(jnp.int32, (CPAD, CPAD), 0)
  pos_b = lax.broadcasted_iota(jnp.int32, (CPAD, CPAD), 1)
  dup = jnp.any((cidx_c == cidx) & (pos_b < pos_a), axis=1, keepdims=True)
  slot = lax.broadcasted_iota(jnp.int32, (CPAD, 1), 0)
  valid = jnp.logical_not(dup) & (slot < NIDX)
  validb = jnp.broadcast_to(valid, (CPAD, BATCH))

  r = lax.broadcasted_iota(jnp.int32, (CPAD, BATCH), 1)
  f = r * ACT_DIM + jnp.broadcast_to(cidx_c, (CPAD, BATCH))
  noise_ref[...] = jnp.where(validb, _gumbel(f), jnp.float32(-jnp.inf))
  valid_ref[...] = valid.astype(jnp.int32)


def _tc_combine_body(gt_ref, noise_ref, valid_ref, idxc_ref, act_ref,
                     logp_ref):
  gt = gt_ref[...]
  noise = noise_ref[...]
  valid = valid_ref[...] == 1
  cidx_c = idxc_ref[...]
  validb = jnp.broadcast_to(valid, (CPAD, BATCH))
  neg_inf = jnp.float32(-jnp.inf)

  gm = jnp.where(validb, gt, neg_inf)
  m = jnp.max(gm, axis=0, keepdims=True)
  shifted = gm - m
  sumexp = jnp.sum(jnp.where(validb, jnp.exp(shifted), jnp.float32(0.0)),
                   axis=0, keepdims=True)
  pi_log = shifted - jnp.log(sumexp)

  z = jnp.where(validb, pi_log + noise, neg_inf)
  zmax = jnp.max(z, axis=0, keepdims=True)
  is_max = (z == zmax) & validb
  cidx_b = jnp.broadcast_to(cidx_c, (CPAD, BATCH))
  win_c = jnp.min(jnp.where(is_max, cidx_b, jnp.int32(2**31 - 1)),
                  axis=0, keepdims=True)
  sel = is_max & (cidx_b == win_c)
  logp = jnp.max(jnp.where(sel, pi_log, neg_inf), axis=0, keepdims=True)
  act_ref[...] = win_c
  logp_ref[...] = logp


def _tc_sample(gt, idx2d, idx2d_col):
  params = pltpu.CompilerParams(skip_device_barrier=True)
  noise, valid = pl.pallas_call(
      _tc_noise_body,
      out_shape=(
          jax.ShapeDtypeStruct((CPAD, BATCH), jnp.float32),
          jax.ShapeDtypeStruct((CPAD, 1), jnp.int32),
      ),
      compiler_params=params,
  )(idx2d, idx2d_col)
  return pl.pallas_call(
      _tc_combine_body,
      out_shape=(
          jax.ShapeDtypeStruct((1, BATCH), jnp.int32),
          jax.ShapeDtypeStruct((1, BATCH), jnp.float32),
      ),
      compiler_params=params,
  )(gt, noise, valid, idx2d_col)


def kernel(q, action_mask):
  idx = action_mask.astype(jnp.int32)
  gt = _sc_gather(q.T, idx)
  idx_pad = jnp.concatenate(
      [idx, jnp.full((CPAD - NIDX,), SENTINEL, jnp.int32)])
  act, logp = _tc_sample(gt, idx_pad.reshape(1, CPAD), idx_pad.reshape(CPAD, 1))
  return act.reshape(BATCH, 1), logp.reshape(BATCH, 1)

# --- scband reference (transcript-rebuilt; emitter-appended) ---
"""Pipeline reference for scband-mlpaction-selector-23630910063033 (READ-ONLY COPY).

The authoritative reference and input builder live on the scoring server;
editing this copy changes nothing except your own understanding.
"""

import jax, jax.numpy as jnp
import numpy as np

ALPHA = 1.0
ACT_DIM = 100000
BATCH = 128

def setup_inputs(seed: int = 0) -> dict:
    key = jax.random.key(seed)
    k1, k2 = jax.random.split(key)
    q = jax.random.normal(k1, (BATCH, ACT_DIM), dtype=jnp.float32)
    action_mask = jax.random.randint(k2, (1000,), 0, ACT_DIM, dtype=jnp.int64) if jax.config.jax_enable_x64 else jax.random.randint(k2, (1000,), 0, ACT_DIM).astype(jnp.int32)
    return {"q": q, "action_mask": action_mask}

def reference(q, action_mask):
    # q_soft = q / alpha
    q_soft = q / ALPHA
    # mask = np.ones(act_dim, bool); mask[action_mask] = False; q_soft[:, mask] = -inf
    # i.e. indices listed in action_mask stay allowed, everything else -> -inf
    allowed = jnp.zeros((ACT_DIM,), dtype=bool).at[action_mask].set(True)
    q_soft = jnp.where(allowed[None, :], q_soft, -jnp.inf)
    # pi_log = LogSoftmax(dim=1)
    pi_log = jax.nn.log_softmax(q_soft, axis=1)
    # stochastic branch: sample from multinomial(1, logits=pi_log), argmax -> action index
    skey = jax.random.key(42)
    pi_action = jax.random.categorical(skey, pi_log, axis=1)[:, None]
    # logp_pi = gather(pi_log, 1, pi_action)
    logp_pi = jnp.take_along_axis(pi_log, pi_action, axis=1)
    return (pi_action, logp_pi)

if __name__ == "__main__":
    import jax
    _d = setup_inputs()
    print(jax.jit(kernel)(*tuple(_d.values())))

</pallas_src>

<mosaic_0001>
#map = affine_map<(d0, d1) -> (0, 0)>
#map1 = affine_map<(d0, d1) -> (0)>
module attributes {stable_mosaic.version = 14 : i64} {
  func.func @k(%arg0: i32, %arg1: i32, %arg2: memref<100000x128xf32, #tpu.memory_space<hbm>>, %arg3: memref<1000xi32, #tpu.memory_space<hbm>>, %arg4: memref<1024x128xf32, #tpu.memory_space<hbm>>, %arg5: memref<32xi32, #tpu.memory_space<vmem>>, %arg6: memref<32x128xf32, #tpu.memory_space<vmem>>, %arg7: memref<!tpu.dma_semaphore, #tpu.memory_space<semaphore_mem>>) attributes {dimension_semantics = [#tpu.dimension_semantics<core_parallel>, #tpu.dimension_semantics<subcore_parallel>], iteration_bounds = array<i64: 2, 16>, scalar_prefetch = 0 : i64, scratch_operands = 3 : i64, tpu.core_type = #tpu.core_type<sc_vector_subcore>, window_params = [{transform_indices = #map}, {transform_indices = #map1}, {transform_indices = #map}]} {
    %mul3A = arith.constant 2 : i32
    %mul3A_0 = arith.muli %arg1, %mul3A : i32
    %add3A = arith.addi %mul3A_0, %arg0 : i32
    %mul3A_1 = arith.constant 32 : i32
    %mul3A_2 = arith.muli %add3A, %mul3A_1 : i32
    %lt3A = arith.constant 31 : i32
    %lt3A_3 = arith.cmpi slt, %add3A, %lt3A : i32
    %convert_element_type3A = arith.extui %lt3A_3 : i1 to i32
    %cond3A = arith.constant 0 : i32
    %cond3A_4 = arith.cmpi ne, %convert_element_type3A, %cond3A : i32
    scf.if %cond3A_4 {
      "tpu.region"() ({
        %run_scoped3A = tpu.sem_alloc : memref<!tpu.dma_semaphore, #tpu.memory_space<semaphore_mem>>
        %dma_start3A_13 = tpu.memref_slice %arg3[%mul3A_2] : memref<1000xi32, #tpu.memory_space<hbm>> -> memref<32xi32, #tpu.memory_space<hbm>>
        %dma_start3A_14 = tpu.memref_slice %arg3[%mul3A_2] : memref<1000xi32, #tpu.memory_space<hbm>> -> memref<32xi32, #tpu.memory_space<hbm>>
        tpu.enqueue_dma source(%dma_start3A_14 : memref<32xi32, #tpu.memory_space<hbm>>) target(%arg5 : memref<32xi32, #tpu.memory_space<vmem>>) target_semaphore(%run_scoped3A : memref<!tpu.dma_semaphore, #tpu.memory_space<semaphore_mem>>)
        %dma_wait3A_15 = tpu.memref_slice %arg3[%mul3A_2] : memref<1000xi32, #tpu.memory_space<hbm>> -> memref<32xi32, #tpu.memory_space<hbm>>
        %dma_wait3A_16 = tpu.memref_slice %arg3[%mul3A_2] : memref<1000xi32, #tpu.memory_space<hbm>> -> memref<32xi32, #tpu.memory_space<hbm>>
        tpu.wait_dma2 semaphore(%run_scoped3A : memref<!tpu.dma_semaphore, #tpu.memory_space<semaphore_mem>>) src(%dma_wait3A_16 : memref<32xi32, #tpu.memory_space<hbm>>) dst(%arg5 : memref<32xi32, #tpu.memory_space<vmem>>)
        tpu.yield
      }) : () -> ()
    } else {
    }
    %eq3A = arith.constant 31 : i32
    %eq3A_5 = arith.cmpi eq, %add3A, %eq3A : i32
    %convert_element_type3A_6 = arith.extui %eq3A_5 : i1 to i32
    %cond3A_7 = arith.constant 0 : i32
    %cond3A_8 = arith.cmpi ne, %convert_element_type3A_6, %cond3A_7 : i32
    scf.if %cond3A_8 {
      "tpu.region"() ({
        %run_scoped3A = tpu.sem_alloc : memref<!tpu.dma_semaphore, #tpu.memory_space<semaphore_mem>>
        %dma_start3A_22 = arith.constant 0 : i32
        %dma_start3A_23 = tpu.memref_slice %arg5[%dma_start3A_22] : memref<32xi32, #tpu.memory_space<vmem>> -> memref<8xi32, #tpu.memory_space<vmem>>
        %dma_start3A_24 = arith.constant 992 : i32
        %dma_start3A_25 = tpu.memref_slice %arg3[%dma_start3A_24] : memref<1000xi32, #tpu.memory_space<hbm>> -> memref<8xi32, #tpu.memory_space<hbm>>
        %dma_start3A_26 = arith.constant 0 : i32
        %dma_start3A_27 = tpu.memref_slice %arg5[%dma_start3A_26] : memref<32xi32, #tpu.memory_space<vmem>> -> memref<8xi32, #tpu.memory_space<vmem>>
        %dma_start3A_28 = arith.constant 992 : i32
        %dma_start3A_29 = tpu.memref_slice %arg3[%dma_start3A_28] : memref<1000xi32, #tpu.memory_space<hbm>> -> memref<8xi32, #tpu.memory_space<hbm>>
        tpu.enqueue_dma source(%dma_start3A_29 : memref<8xi32, #tpu.memory_space<hbm>>) target(%dma_start3A_27 : memref<8xi32, #tpu.memory_space<vmem>>) target_semaphore(%run_scoped3A : memref<!tpu.dma_semaphore, #tpu.memory_space<semaphore_mem>>)
        %dma_wait3A_30 = arith.constant 0 : i32
        %dma_wait3A_31 = tpu.memref_slice %arg5[%dma_wait3A_30] : memref<32xi32, #tpu.memory_space<vmem>> -> memref<8xi32, #tpu.memory_space<vmem>>
        %dma_wait3A_32 = arith.constant 992 : i32
        %dma_wait3A_33 = tpu.memref_slice %arg3[%dma_wait3A_32] : memref<1000xi32, #tpu.memory_space<hbm>> -> memref<8xi32, #tpu.memory_space<hbm>>
        %dma_wait3A_34 = arith.constant 0 : i32
        %dma_wait3A_35 = tpu.memref_slice %arg5[%dma_wait3A_34] : memref<32xi32, #tpu.memory_space<vmem>> -> memref<8xi32, #tpu.memory_space<vmem>>
        %dma_wait3A_36 = arith.constant 992 : i32
        %dma_wait3A_37 = tpu.memref_slice %arg3[%dma_wait3A_36] : memref<1000xi32, #tpu.memory_space<hbm>> -> memref<8xi32, #tpu.memory_space<hbm>>
        tpu.wait_dma2 semaphore(%run_scoped3A : memref<!tpu.dma_semaphore, #tpu.memory_space<semaphore_mem>>) src(%dma_wait3A_37 : memref<8xi32, #tpu.memory_space<hbm>>) dst(%dma_wait3A_35 : memref<8xi32, #tpu.memory_space<vmem>>)
        tpu.yield
      }) : () -> ()
      %iota3A = tpu.iota {dimensions = array<i32: 0>} : vector<16xi32>
      %get3A = arith.constant 0 : index
      %get3A_13 = tpu.vector_load %arg5[%get3A] {strides = array<i32>} : memref<32xi32, #tpu.memory_space<vmem>>, vector<16xi32>,
      %lt3A_14 = arith.constant 8 : i32
      %lt3A_15 = vector.broadcast %lt3A_14 : i32 to vector<16xi32>
      %lt3A_16 = arith.cmpi slt, %iota3A, %lt3A_15 : vector<16xi32>
      %jit3A = arith.constant 99999 : i32
      %broadcast_in_dim3A = vector.broadcast %jit3A : i32 to vector<16xi32>
      %select_n3A = arith.select %lt3A_16, %get3A_13, %broadcast_in_dim3A : vector<16xi1>, vector<16xi32>
      %swap3A = arith.constant 0 : index
      %swap3A_17 = tpu.vector_load %arg5[%swap3A] {strides = array<i32>} : memref<32xi32, #tpu.memory_space<vmem>>, vector<16xi32>,
      tpu.vector_store %arg5[%swap3A], %select_n3A {strides = array<i32>} : memref<32xi32, #tpu.memory_space<vmem>>, vector<16xi32>,
      %broadcast_in_dim3A_18 = arith.constant 99999 : i32
      %broadcast_in_dim3A_19 = vector.broadcast %broadcast_in_dim3A_18 : i32 to vector<16xi32>
      %swap3A_20 = arith.constant 16 : index
      %swap3A_21 = tpu.vector_load %arg5[%swap3A_20] {strides = array<i32>} : memref<32xi32, #tpu.memory_space<vmem>>, vector<16xi32>,
      tpu.vector_store %arg5[%swap3A_20], %broadcast_in_dim3A_19 {strides = array<i32>} : memref<32xi32, #tpu.memory_space<vmem>>, vector<16xi32>,
    } else {
    }
    %dma_start3A = arith.constant 0 : i32
    %dma_start3A_9 = arith.constant 0 : i32
    %dma_start3A_10 = tpu.memref_slice %arg2[%dma_start3A, %dma_start3A_9] : memref<100000x128xf32, #tpu.memory_space<hbm>> -> memref<100000x128xf32, #tpu.memory_space<hbm>>
    tpu.enqueue_indirect_dma source(%dma_start3A_10 : memref<100000x128xf32, #tpu.memory_space<hbm>>) target(%arg6 : memref<32x128xf32, #tpu.memory_space<vmem>>) offsets(%arg5 : memref<32xi32, #tpu.memory_space<vmem>>) semaphore(%arg7 : memref<!tpu.dma_semaphore, #tpu.memory_space<semaphore_mem>>)
    %dma_wait3A = arith.constant 0 : i32
    %dma_wait3A_11 = arith.constant 0 : i32
    %dma_wait3A_12 = tpu.memref_slice %arg2[%dma_wait3A, %dma_wait3A_11] : memref<100000x128xf32, #tpu.memory_space<hbm>> -> memref<100000x128xf32, #tpu.memory_space<hbm>>
    tpu.wait_indirect_dma semaphore(%arg7 : memref<!tpu.dma_semaphore, #tpu.memory_space<semaphore_mem>>) src(%dma_wait3A_12 : memref<100000x128xf32, #tpu.memory_space<hbm>>) dst(%arg6 : memref<32x128xf32, #tpu.memory_space<vmem>>)
    "tpu.region"() ({
      %run_scoped3A = tpu.sem_alloc : memref<!tpu.dma_semaphore, #tpu.memory_space<semaphore_mem>>
      %dma_start3A_13 = arith.constant 0 : i32
      %dma_start3A_14 = tpu.memref_slice %arg4[%mul3A_2, %dma_start3A_13] : memref<1024x128xf32, #tpu.memory_space<hbm>> -> memref<32x128xf32, #tpu.memory_space<hbm>>
      %dma_start3A_15 = arith.constant 0 : i32
      %dma_start3A_16 = tpu.memref_slice %arg4[%mul3A_2, %dma_start3A_15] : memref<1024x128xf32, #tpu.memory_space<hbm>> -> memref<32x128xf32, #tpu.memory_space<hbm>>
      tpu.enqueue_dma source(%arg6 : memref<32x128xf32, #tpu.memory_space<vmem>>) target(%dma_start3A_16 : memref<32x128xf32, #tpu.memory_space<hbm>>) target_semaphore(%run_scoped3A : memref<!tpu.dma_semaphore, #tpu.memory_space<semaphore_mem>>)
      %dma_wait3A_17 = arith.constant 0 : i32
      %dma_wait3A_18 = tpu.memref_slice %arg4[%mul3A_2, %dma_wait3A_17] : memref<1024x128xf32, #tpu.memory_space<hbm>> -> memref<32x128xf32, #tpu.memory_space<hbm>>
      %dma_wait3A_19 = arith.constant 0 : i32
      %dma_wait3A_20 = tpu.memref_slice %arg4[%mul3A_2, %dma_wait3A_19] : memref<1024x128xf32, #tpu.memory_space<hbm>> -> memref<32x128xf32, #tpu.memory_space<hbm>>
      tpu.wait_dma2 semaphore(%run_scoped3A : memref<!tpu.dma_semaphore, #tpu.memory_space<semaphore_mem>>) src(%arg6 : memref<32x128xf32, #tpu.memory_space<vmem>>) dst(%dma_wait3A_20 : memref<32x128xf32, #tpu.memory_space<hbm>>)
      tpu.yield
    }) : () -> ()
    return
  }
}

module attributes {stable_mosaic.version = 14 : i64} {
  func.func @_tc_combine_body(%arg0: memref<1024x128xf32, #tpu.memory_space<vmem>>, %arg1: memref<1024x128xf32, #tpu.memory_space<vmem>>, %arg2: memref<1024x1xi32, #tpu.memory_space<vmem>>, %arg3: memref<1024x1xi32, #tpu.memory_space<vmem>>, %arg4: memref<1x128xi32, #tpu.memory_space<vmem>>, %arg5: memref<1x128xf32, #tpu.memory_space<vmem>>) attributes {dimension_semantics = [], scalar_prefetch = 0 : i64, scratch_operands = 0 : i64, tpu.core_type = #tpu.core_type<tc>} {
    %get3A = arith.constant 0 : index
    %get3A_0 = arith.constant 0 : index
    %get3A_1 = vector.load %arg0[%get3A, %get3A_0] : memref<1024x128xf32, #tpu.memory_space<vmem>>, vector<1024x128xf32>
    %get3A_2 = arith.constant 0 : index
    %get3A_3 = arith.constant 0 : index
    %get3A_4 = vector.load %arg1[%get3A_2, %get3A_3] : memref<1024x128xf32, #tpu.memory_space<vmem>>, vector<1024x128xf32>
    %get3A_5 = arith.constant 0 : index
    %get3A_6 = arith.constant 0 : index
    %get3A_7 = vector.load %arg2[%get3A_5, %get3A_6] : memref<1024x1xi32, #tpu.memory_space<vmem>>, vector<1024x1xi32>
    %eq3A = arith.constant 1 : i32
    %eq3A_8 = vector.broadcast %eq3A : i32 to vector<1024x1xi32>
    %eq3A_9 = arith.cmpi eq, %get3A_7, %eq3A_8 : vector<1024x1xi32>
    %get3A_10 = arith.constant 0 : index
    %get3A_11 = arith.constant 0 : index
    %get3A_12 = vector.load %arg3[%get3A_10, %get3A_11] : memref<1024x1xi32, #tpu.memory_space<vmem>>, vector<1024x1xi32>
    %broadcast_in_dim3A = vector.shape_cast %eq3A_9 : vector<1024x1xi1> to vector<1024x1xi1>
    %broadcast_in_dim3A_13 = vector.broadcast %broadcast_in_dim3A : vector<1024x1xi1> to vector<1024x128xi1>
    %jit3A = arith.constant 0xFF800000 : f32
    %broadcast_in_dim3A_14 = vector.broadcast %jit3A : f32 to vector<1024x128xf32>
    %select_n3A = arith.select %broadcast_in_dim3A_13, %get3A_1, %broadcast_in_dim3A_14 : vector<1024x128xi1>, vector<1024x128xf32>
    %reduce_max3A = arith.constant dense<0xFF800000> : vector<128xf32>
    %reduce_max3A_15 = vector.multi_reduction <maximumf>, %select_n3A, %reduce_max3A [0] : vector<1024x128xf32> to vector<128xf32>
    %broadcast_in_dim3A_16 = vector.shape_cast %reduce_max3A_15 : vector<128xf32> to vector<1x128xf32>
    %sub3A = vector.broadcast %broadcast_in_dim3A_16 : vector<1x128xf32> to vector<1024x128xf32>
    %sub3A_17 = arith.subf %select_n3A, %sub3A : vector<1024x128xf32>
    %exp3A = math.exp %sub3A_17 : vector<1024x128xf32>
    %jit3A_18 = arith.constant 0.000000e+00 : f32
    %broadcast_in_dim3A_19 = vector.broadcast %jit3A_18 : f32 to vector<1024x128xf32>
    %select_n3A_20 = arith.select %broadcast_in_dim3A_13, %exp3A, %broadcast_in_dim3A_19 : vector<1024x128xi1>, vector<1024x128xf32>
    %reduce_sum3A = arith.constant dense<0.000000e+00> : vector<128xf32>
    %reduce_sum3A_21 = vector.multi_reduction <add>, %select_n3A_20, %reduce_sum3A [0] : vector<1024x128xf32> to vector<128xf32>
    %broadcast_in_dim3A_22 = vector.shape_cast %reduce_sum3A_21 : vector<128xf32> to vector<1x128xf32>
    %log3A = math.log %broadcast_in_dim3A_22 : vector<1x128xf32>
    %sub3A_23 = vector.broadcast %log3A : vector<1x128xf32> to vector<1024x128xf32>
    %sub3A_24 = arith.subf %sub3A_17, %sub3A_23 : vector<1024x128xf32>
    %add3A = arith.addf %sub3A_24, %get3A_4 : vector<1024x128xf32>
    %jit3A_25 = arith.constant 0xFF800000 : f32
    %broadcast_in_dim3A_26 = vector.broadcast %jit3A_25 : f32 to vector<1024x128xf32>
    %select_n3A_27 = arith.select %broadcast_in_dim3A_13, %add3A, %broadcast_in_dim3A_26 : vector<1024x128xi1>, vector<1024x128xf32>
    %reduce_max3A_28 = arith.constant dense<0xFF800000> : vector<128xf32>
    %reduce_max3A_29 = vector.multi_reduction <maximumf>, %select_n3A_27, %reduce_max3A_28 [0] : vector<1024x128xf32> to vector<128xf32>
    %broadcast_in_dim3A_30 = vector.shape_cast %reduce_max3A_29 : vector<128xf32> to vector<1x128xf32>
    %eq3A_31 = vector.broadcast %broadcast_in_dim3A_30 : vector<1x128xf32> to vector<1024x128xf32>
    %eq3A_32 = arith.cmpf oeq, %select_n3A_27, %eq3A_31 : vector<1024x128xf32>
    %and3A = arith.andi %eq3A_32, %broadcast_in_dim3A_13 : vector<1024x128xi1>
    %broadcast_in_dim3A_33 = vector.shape_cast %get3A_12 : vector<1024x1xi32> to vector<1024x1xi32>
    %broadcast_in_dim3A_34 = vector.broadcast %broadcast_in_dim3A_33 : vector<1024x1xi32> to vector<1024x128xi32>
    %jit3A_35 = arith.constant 2147483647 : i32
    %broadcast_in_dim3A_36 = vector.broadcast %jit3A_35 : i32 to vector<1024x128xi32>
    %select_n3A_37 = arith.select %and3A, %broadcast_in_dim3A_34, %broadcast_in_dim3A_36 : vector<1024x128xi1>, vector<1024x128xi32>
    %reduce_min3A = arith.constant dense<2147483647> : vector<128xi32>
    %reduce_min3A_38 = vector.multi_reduction <minsi>, %select_n3A_37, %reduce_min3A [0] : vector<1024x128xi32> to vector<128xi32>
    %broadcast_in_dim3A_39 = vector.shape_cast %reduce_min3A_38 : vector<128xi32> to vector<1x128xi32>
    %eq3A_40 = vector.broadcast %broadcast_in_dim3A_39 : vector<1x128xi32> to vector<1024x128xi32>
    %eq3A_41 = arith.cmpi eq, %broadcast_in_dim3A_34, %eq3A_40 : vector<1024x128xi32>
    %and3A_42 = arith.andi %and3A, %eq3A_41 : vector<1024x128xi1>
    %jit3A_43 = arith.constant 0xFF800000 : f32
    %broadcast_in_dim3A_44 = vector.broadcast %jit3A_43 : f32 to vector<1024x128xf32>
    %select_n3A_45 = arith.select %and3A_42, %sub3A_24, %broadcast_in_dim3A_44 : vector<1024x128xi1>, vector<1024x128xf32>
    %reduce_max3A_46 = arith.constant dense<0xFF800000> : vector<128xf32>
    %reduce_max3A_47 = vector.multi_reduction <maximumf>, %select_n3A_45, %reduce_max3A_46 [0] : vector<1024x128xf32> to vector<128xf32>
    %broadcast_in_dim3A_48 = vector.shape_cast %reduce_max3A_47 : vector<128xf32> to vector<1x128xf32>
    %swap3A = arith.constant 0 : index
    %swap3A_49 = arith.constant 0 : index
    %swap3A_50 = vector.load %arg4[%swap3A, %swap3A_49] : memref<1x128xi32, #tpu.memory_space<vmem>>, vector<1x128xi32>
    tpu.vector_store %arg4[%swap3A, %swap3A_49], %broadcast_in_dim3A_39 {strides = array<i32>} : memref<1x128xi32, #tpu.memory_space<vmem>>, vector<1x128xi32>,
    %swap3A_51 = arith.constant 0 : index
    %swap3A_52 = arith.constant 0 : index
    %swap3A_53 = vector.load %arg5[%swap3A_51, %swap3A_52] : memref<1x128xf32, #tpu.memory_space<vmem>>, vector<1x128xf32>
    tpu.vector_store %arg5[%swap3A_51, %swap3A_52], %broadcast_in_dim3A_48 {strides = array<i32>} : memref<1x128xf32, #tpu.memory_space<vmem>>, vector<1x128xf32>,
    return
  }
}

module attributes {stable_mosaic.version = 14 : i64} {
  func.func @_tc_noise_body(%arg0: memref<1x1024xi32, #tpu.memory_space<vmem>>, %arg1: memref<1024x1xi32, #tpu.memory_space<vmem>>, %arg2: memref<1024x128xf32, #tpu.memory_space<vmem>>, %arg3: memref<1024x1xi32, #tpu.memory_space<vmem>>) attributes {dimension_semantics = [], scalar_prefetch = 0 : i64, scratch_operands = 0 : i64, tpu.core_type = #tpu.core_type<tc>} {
    %get3A = arith.constant 0 : index
    %get3A_0 = arith.constant 0 : index
    %get3A_1 = vector.load %arg0[%get3A, %get3A_0] : memref<1x1024xi32, #tpu.memory_space<vmem>>, vector<1x1024xi32>
    %get3A_2 = arith.constant 0 : index
    %get3A_3 = arith.constant 0 : index
    %get3A_4 = vector.load %arg1[%get3A_2, %get3A_3] : memref<1024x1xi32, #tpu.memory_space<vmem>>, vector<1024x1xi32>
    %iota3A = tpu.iota {dimensions = array<i32: 0>} : vector<1024x1024xi32>
    %iota3A_5 = tpu.iota {dimensions = array<i32: 1>} : vector<1024x1024xi32>
    %eq3A = vector.broadcast %get3A_4 : vector<1024x1xi32> to vector<1024x1024xi32>
    %eq3A_6 = vector.broadcast %get3A_1 : vector<1x1024xi32> to vector<1024x1024xi32>
    %eq3A_7 = arith.cmpi eq, %eq3A, %eq3A_6 : vector<1024x1024xi32>
    %lt3A = arith.cmpi slt, %iota3A_5, %iota3A : vector<1024x1024xi32>
    %and3A = arith.andi %eq3A_7, %lt3A : vector<1024x1024xi1>
    %reduce_or3A = arith.constant 1.000000e+00 : f32
    %reduce_or3A_8 = arith.constant 0.000000e+00 : f32
    %reduce_or3A_9 = vector.broadcast %reduce_or3A : f32 to vector<1024x1024xf32>
    %reduce_or3A_10 = vector.broadcast %reduce_or3A_8 : f32 to vector<1024x1024xf32>
    %reduce_or3A_11 = arith.select %and3A, %reduce_or3A_9, %reduce_or3A_10 : vector<1024x1024xi1>, vector<1024x1024xf32>
    %reduce_or3A_12 = arith.constant dense<0xFF800000> : vector<1024xf32>
    %reduce_or3A_13 = vector.multi_reduction <maximumf>, %reduce_or3A_11, %reduce_or3A_12 [1] : vector<1024x1024xf32> to vector<1024xf32>
    %reduce_or3A_14 = arith.constant 0.000000e+00 : f32
    %reduce_or3A_15 = vector.broadcast %reduce_or3A_14 : f32 to vector<1024xf32>
    %reduce_or3A_16 = arith.cmpf ogt, %reduce_or3A_13, %reduce_or3A_15 : vector<1024xf32>
    %broadcast_in_dim3A = vector.shape_cast %reduce_or3A_16 : vector<1024xi1> to vector<1024x1xi1>
    %iota3A_17 = tpu.iota {dimensions = array<i32: 0>} : vector<1024x1xi32>
    %not3A = arith.constant dense<true> : vector<1024x1xi1>
    %not3A_18 = arith.xori %broadcast_in_dim3A, %not3A : vector<1024x1xi1>
    %lt3A_19 = arith.constant 1000 : i32
    %lt3A_20 = vector.broadcast %lt3A_19 : i32 to vector<1024x1xi32>
    %lt3A_21 = arith.cmpi slt, %iota3A_17, %lt3A_20 : vector<1024x1xi32>
    %and3A_22 = arith.andi %not3A_18, %lt3A_21 : vector<1024x1xi1>
    %broadcast_in_dim3A_23 = vector.shape_cast %and3A_22 : vector<1024x1xi1> to vector<1024x1xi1>
    %broadcast_in_dim3A_24 = vector.broadcast %broadcast_in_dim3A_23 : vector<1024x1xi1> to vector<1024x128xi1>
    %iota3A_25 = tpu.iota {dimensions = array<i32: 1>} : vector<1024x128xi32>
    %mul3A = arith.constant 100000 : i32
    %mul3A_26 = vector.broadcast %mul3A : i32 to vector<1024x128xi32>
    %mul3A_27 = arith.muli %iota3A_25, %mul3A_26 : vector<1024x128xi32>
    %broadcast_in_dim3A_28 = vector.shape_cast %get3A_4 : vector<1024x1xi32> to vector<1024x1xi32>
    %broadcast_in_dim3A_29 = vector.broadcast %broadcast_in_dim3A_28 : vector<1024x1xi32> to vector<1024x128xi32>
    %add3A = arith.addi %mul3A_27, %broadcast_in_dim3A_29 : vector<1024x128xi32>
    %broadcast_in_dim3A_30 = arith.constant 0 : i32
    %broadcast_in_dim3A_31 = vector.broadcast %broadcast_in_dim3A_30 : i32 to vector<1024x128xi32>
    %add3A_32 = arith.constant 0 : i32
    %add3A_33 = vector.broadcast %add3A_32 : i32 to vector<1024x128xi32>
    %add3A_34 = arith.addi %broadcast_in_dim3A_31, %add3A_33 : vector<1024x128xi32>
    %add3A_35 = arith.constant 42 : i32
    %add3A_36 = vector.broadcast %add3A_35 : i32 to vector<1024x128xi32>
    %add3A_37 = arith.addi %add3A, %add3A_36 : vector<1024x128xi32>
    %add3A_38 = arith.addi %add3A_34, %add3A_37 : vector<1024x128xi32>
    %shift_left3A = arith.constant 13 : i32
    %shift_left3A_39 = vector.broadcast %shift_left3A : i32 to vector<1024x128xi32>
    %shift_left3A_40 = arith.shli %add3A_37, %shift_left3A_39 : vector<1024x128xi32>
    %shift_right_logical3A = arith.constant 19 : i32
    %shift_right_logical3A_41 = vector.broadcast %shift_right_logical3A : i32 to vector<1024x128xi32>
    %shift_right_logical3A_42 = arith.shrui %add3A_37, %shift_right_logical3A_41 : vector<1024x128xi32>
    %or3A = arith.ori %shift_left3A_40, %shift_right_logical3A_42 : vector<1024x128xi32>
    %xor3A = arith.xori %add3A_38, %or3A : vector<1024x128xi32>
    %add3A_43 = arith.addi %add3A_38, %xor3A : vector<1024x128xi32>
    %shift_left3A_44 = arith.constant 15 : i32
    %shift_left3A_45 = vector.broadcast %shift_left3A_44 : i32 to vector<1024x128xi32>
    %shift_left3A_46 = arith.shli %xor3A, %shift_left3A_45 : vector<1024x128xi32>
    %shift_right_logical3A_47 = arith.constant 17 : i32
    %shift_right_logical3A_48 = vector.broadcast %shift_right_logical3A_47 : i32 to vector<1024x128xi32>
    %shift_right_logical3A_49 = arith.shrui %xor3A, %shift_right_logical3A_48 : vector<1024x128xi32>
    %or3A_50 = arith.ori %shift_left3A_46, %shift_right_logical3A_49 : vector<1024x128xi32>
    %xor3A_51 = arith.xori %add3A_43, %or3A_50 : vector<1024x128xi32>
    %add3A_52 = arith.addi %add3A_43, %xor3A_51 : vector<1024x128xi32>
    %shift_left3A_53 = arith.constant 26 : i32
    %shift_left3A_54 = vector.broadcast %shift_left3A_53 : i32 to vector<1024x128xi32>
    %shift_left3A_55 = arith.shli %xor3A_51, %shift_left3A_54 : vector<1024x128xi32>
    %shift_right_logical3A_56 = arith.constant 6 : i32
    %shift_right_logical3A_57 = vector.broadcast %shift_right_logical3A_56 : i32 to vector<1024x128xi32>
    %shift_right_logical3A_58 = arith.shrui %xor3A_51, %shift_right_logical3A_57 : vector<1024x128xi32>
    %or3A_59 = arith.ori %shift_left3A_55, %shift_right_logical3A_58 : vector<1024x128xi32>
    %xor3A_60 = arith.xori %add3A_52, %or3A_59 : vector<1024x128xi32>
    %add3A_61 = arith.addi %add3A_52, %xor3A_60 : vector<1024x128xi32>
    %shift_left3A_62 = arith.constant 6 : i32
    %shift_left3A_63 = vector.broadcast %shift_left3A_62 : i32 to vector<1024x128xi32>
    %shift_left3A_64 = arith.shli %xor3A_60, %shift_left3A_63 : vector<1024x128xi32>
    %shift_right_logical3A_65 = arith.constant 26 : i32
    %shift_right_logical3A_66 = vector.broadcast %shift_right_logical3A_65 : i32 to vector<1024x128xi32>
    %shift_right_logical3A_67 = arith.shrui %xor3A_60, %shift_right_logical3A_66 : vector<1024x128xi32>
    %or3A_68 = arith.ori %shift_left3A_64, %shift_right_logical3A_67 : vector<1024x128xi32>
    %xor3A_69 = arith.xori %add3A_61, %or3A_68 : vector<1024x128xi32>
    %add3A_70 = arith.constant 42 : i32
    %add3A_71 = vector.broadcast %add3A_70 : i32 to vector<1024x128xi32>
    %add3A_72 = arith.addi %add3A_61, %add3A_71 : vector<1024x128xi32>
    %add3A_73 = arith.constant 466689008 : i32
    %add3A_74 = vector.broadcast %add3A_73 : i32 to vector<1024x128xi32>
    %add3A_75 = arith.addi %xor3A_69, %add3A_74 : vector<1024x128xi32>
    %add3A_76 = arith.constant 1 : i32
    %add3A_77 = vector.broadcast %add3A_76 : i32 to vector<1024x128xi32>
    %add3A_78 = arith.addi %add3A_75, %add3A_77 : vector<1024x128xi32>
    %add3A_79 = arith.addi %add3A_72, %add3A_78 : vector<1024x128xi32>
    %shift_left3A_80 = arith.constant 17 : i32
    %shift_left3A_81 = vector.broadcast %shift_left3A_80 : i32 to vector<1024x128xi32>
    %shift_left3A_82 = arith.shli %add3A_78, %shift_left3A_81 : vector<1024x128xi32>
    %shift_right_logical3A_83 = arith.constant 15 : i32
    %shift_right_logical3A_84 = vector.broadcast %shift_right_logical3A_83 : i32 to vector<1024x128xi32>
    %shift_right_logical3A_85 = arith.shrui %add3A_78, %shift_right_logical3A_84 : vector<1024x128xi32>
    %or3A_86 = arith.ori %shift_left3A_82, %shift_right_logical3A_85 : vector<1024x128xi32>
    %xor3A_87 = arith.xori %add3A_79, %or3A_86 : vector<1024x128xi32>
    %add3A_88 = arith.addi %add3A_79, %xor3A_87 : vector<1024x128xi32>
    %shift_left3A_89 = arith.constant 29 : i32
    %shift_left3A_90 = vector.broadcast %shift_left3A_89 : i32 to vector<1024x128xi32>
    %shift_left3A_91 = arith.shli %xor3A_87, %shift_left3A_90 : vector<1024x128xi32>
    %shift_right_logical3A_92 = arith.constant 3 : i32
    %shift_right_logical3A_93 = vector.broadcast %shift_right_logical3A_92 : i32 to vector<1024x128xi32>
    %shift_right_logical3A_94 = arith.shrui %xor3A_87, %shift_right_logical3A_93 : vector<1024x128xi32>
    %or3A_95 = arith.ori %shift_left3A_91, %shift_right_logical3A_94 : vector<1024x128xi32>
    %xor3A_96 = arith.xori %add3A_88, %or3A_95 : vector<1024x128xi32>
    %add3A_97 = arith.addi %add3A_88, %xor3A_96 : vector<1024x128xi32>
    %shift_left3A_98 = arith.constant 16 : i32
    %shift_left3A_99 = vector.broadcast %shift_left3A_98 : i32 to vector<1024x128xi32>
    %shift_left3A_100 = arith.shli %xor3A_96, %shift_left3A_99 : vector<1024x128xi32>
    %shift_right_logical3A_101 = arith.constant 16 : i32
    %shift_right_logical3A_102 = vector.broadcast %shift_right_logical3A_101 : i32 to vector<1024x128xi32>
    %shift_right_logical3A_103 = arith.shrui %xor3A_96, %shift_right_logical3A_102 : vector<1024x128xi32>
    %or3A_104 = arith.ori %shift_left3A_100, %shift_right_logical3A_103 : vector<1024x128xi32>
    %xor3A_105 = arith.xori %add3A_97, %or3A_104 : vector<1024x128xi32>
    %add3A_106 = arith.addi %add3A_97, %xor3A_105 : vector<1024x128xi32>
    %shift_left3A_107 = arith.constant 24 : i32
    %shift_left3A_108 = vector.broadcast %shift_left3A_107 : i32 to vector<1024x128xi32>
    %shift_left3A_109 = arith.shli %xor3A_105, %shift_left3A_108 : vector<1024x128xi32>
    %shift_right_logical3A_110 = arith.constant 8 : i32
    %shift_right_logical3A_111 = vector.broadcast %shift_right_logical3A_110 : i32 to vector<1024x128xi32>
    %shift_right_logical3A_112 = arith.shrui %xor3A_105, %shift_right_logical3A_111 : vector<1024x128xi32>
    %or3A_113 = arith.ori %shift_left3A_109, %shift_right_logical3A_112 : vector<1024x128xi32>
    %xor3A_114 = arith.xori %add3A_106, %or3A_113 : vector<1024x128xi32>
    %add3A_115 = arith.constant 466689008 : i32
    %add3A_116 = vector.broadcast %add3A_115 : i32 to vector<1024x128xi32>
    %add3A_117 = arith.addi %add3A_106, %add3A_116 : vector<1024x128xi32>
    %add3A_118 = arith.constant 0 : i32
    %add3A_119 = vector.broadcast %add3A_118 : i32 to vector<1024x128xi32>
    %add3A_120 = arith.addi %xor3A_114, %add3A_119 : vector<1024x128xi32>
    %add3A_121 = arith.constant 2 : i32
    %add3A_122 = vector.broadcast %add3A_121 : i32 to vector<1024x128xi32>
    %add3A_123 = arith.addi %add3A_120, %add3A_122 : vector<1024x128xi32>
    %add3A_124 = arith.addi %add3A_117, %add3A_123 : vector<1024x128xi32>
    %shift_left3A_125 = arith.constant 13 : i32
    %shift_left3A_126 = vector.broadcast %shift_left3A_125 : i32 to vector<1024x128xi32>
    %shift_left3A_127 = arith.shli %add3A_123, %shift_left3A_126 : vector<1024x128xi32>
    %shift_right_logical3A_128 = arith.constant 19 : i32
    %shift_right_logical3A_129 = vector.broadcast %shift_right_logical3A_128 : i32 to vector<1024x128xi32>
    %shift_right_logical3A_130 = arith.shrui %add3A_123, %shift_right_logical3A_129 : vector<1024x128xi32>
    %or3A_131 = arith.ori %shift_left3A_127, %shift_right_logical3A_130 : vector<1024x128xi32>
    %xor3A_132 = arith.xori %add3A_124, %or3A_131 : vector<1024x128xi32>
    %add3A_133 = arith.addi %add3A_124, %xor3A_132 : vector<1024x128xi32>
    %shift_left3A_134 = arith.constant 15 : i32
    %shift_left3A_135 = vector.broadcast %shift_left3A_134 : i32 to vector<1024x128xi32>
    %shift_left3A_136 = arith.shli %xor3A_132, %shift_left3A_135 : vector<1024x128xi32>
    %shift_right_logical3A_137 = arith.constant 17 : i32
    %shift_right_logical3A_138 = vector.broadcast %shift_right_logical3A_137 : i32 to vector<1024x128xi32>
    %shift_right_logical3A_139 = arith.shrui %xor3A_132, %shift_right_logical3A_138 : vector<1024x128xi32>
    %or3A_140 = arith.ori %shift_left3A_136, %shift_right_logical3A_139 : vector<1024x128xi32>
    %xor3A_141 = arith.xori %add3A_133, %or3A_140 : vector<1024x128xi32>
    %add3A_142 = arith.addi %add3A_133, %xor3A_141 : vector<1024x128xi32>
    %shift_left3A_143 = arith.constant 26 : i32
    %shift_left3A_144 = vector.broadcast %shift_left3A_143 : i32 to vector<1024x128xi32>
    %shift_left3A_145 = arith.shli %xor3A_141, %shift_left3A_144 : vector<1024x128xi32>
    %shift_right_logical3A_146 = arith.constant 6 : i32
    %shift_right_logical3A_147 = vector.broadcast %shift_right_logical3A_146 : i32 to vector<1024x128xi32>
    %shift_right_logical3A_148 = arith.shrui %xor3A_141, %shift_right_logical3A_147 : vector<1024x128xi32>
    %or3A_149 = arith.ori %shift_left3A_145, %shift_right_logical3A_148 : vector<1024x128xi32>
    %xor3A_150 = arith.xori %add3A_142, %or3A_149 : vector<1024x128xi32>
    %add3A_151 = arith.addi %add3A_142, %xor3A_150 : vector<1024x128xi32>
    %shift_left3A_152 = arith.constant 6 : i32
    %shift_left3A_153 = vector.broadcast %shift_left3A_152 : i32 to vector<1024x128xi32>
    %shift_left3A_154 = arith.shli %xor3A_150, %shift_left3A_153 : vector<1024x128xi32>
    %shift_right_logical3A_155 = arith.constant 26 : i32
    %shift_right_logical3A_156 = vector.broadcast %shift_right_logical3A_155 : i32 to vector<1024x128xi32>
    %shift_right_logical3A_157 = arith.shrui %xor3A_150, %shift_right_logical3A_156 : vector<1024x128xi32>
    %or3A_158 = arith.ori %shift_left3A_154, %shift_right_logical3A_157 : vector<1024x128xi32>
    %xor3A_159 = arith.xori %add3A_151, %or3A_158 : vector<1024x128xi32>
    %add3A_160 = arith.constant 0 : i32
    %add3A_161 = vector.broadcast %add3A_160 : i32 to vector<1024x128xi32>
    %add3A_162 = arith.addi %add3A_151, %add3A_161 : vector<1024x128xi32>
    %add3A_163 = arith.constant 42 : i32
    %add3A_164 = vector.broadcast %add3A_163 : i32 to vector<1024x128xi32>
    %add3A_165 = arith.addi %xor3A_159, %add3A_164 : vector<1024x128xi32>
    %add3A_166 = arith.constant 3 : i32
    %add3A_167 = vector.broadcast %add3A_166 : i32 to vector<1024x128xi32>
    %add3A_168 = arith.addi %add3A_165, %add3A_167 : vector<1024x128xi32>
    %add3A_169 = arith.addi %add3A_162, %add3A_168 : vector<1024x128xi32>
    %shift_left3A_170 = arith.constant 17 : i32
    %shift_left3A_171 = vector.broadcast %shift_left3A_170 : i32 to vector<1024x128xi32>
    %shift_left3A_172 = arith.shli %add3A_168, %shift_left3A_171 : vector<1024x128xi32>
    %shift_right_logical3A_173 = arith.constant 15 : i32
    %shift_right_logical3A_174 = vector.broadcast %shift_right_logical3A_173 : i32 to vector<1024x128xi32>
    %shift_right_logical3A_175 = arith.shrui %add3A_168, %shift_right_logical3A_174 : vector<1024x128xi32>
    %or3A_176 = arith.ori %shift_left3A_172, %shift_right_logical3A_175 : vector<1024x128xi32>
    %xor3A_177 = arith.xori %add3A_169, %or3A_176 : vector<1024x128xi32>
    %add3A_178 = arith.addi %add3A_169, %xor3A_177 : vector<1024x128xi32>
    %shift_left3A_179 = arith.constant 29 : i32
    %shift_left3A_180 = vector.broadcast %shift_left3A_179 : i32 to vector<1024x128xi32>
    %shift_left3A_181 = arith.shli %xor3A_177, %shift_left3A_180 : vector<1024x128xi32>
    %shift_right_logical3A_182 = arith.constant 3 : i32
    %shift_right_logical3A_183 = vector.broadcast %shift_right_logical3A_182 : i32 to vector<1024x128xi32>
    %shift_right_logical3A_184 = arith.shrui %xor3A_177, %shift_right_logical3A_183 : vector<1024x128xi32>
    %or3A_185 = arith.ori %shift_left3A_181, %shift_right_logical3A_184 : vector<1024x128xi32>
    %xor3A_186 = arith.xori %add3A_178, %or3A_185 : vector<1024x128xi32>
    %add3A_187 = arith.addi %add3A_178, %xor3A_186 : vector<1024x128xi32>
    %shift_left3A_188 = arith.constant 16 : i32
    %shift_left3A_189 = vector.broadcast %shift_left3A_188 : i32 to vector<1024x128xi32>
    %shift_left3A_190 = arith.shli %xor3A_186, %shift_left3A_189 : vector<1024x128xi32>
    %shift_right_logical3A_191 = arith.constant 16 : i32
    %shift_right_logical3A_192 = vector.broadcast %shift_right_logical3A_191 : i32 to vector<1024x128xi32>
    %shift_right_logical3A_193 = arith.shrui %xor3A_186, %shift_right_logical3A_192 : vector<1024x128xi32>
    %or3A_194 = arith.ori %shift_left3A_190, %shift_right_logical3A_193 : vector<1024x128xi32>
    %xor3A_195 = arith.xori %add3A_187, %or3A_194 : vector<1024x128xi32>
    %add3A_196 = arith.addi %add3A_187, %xor3A_195 : vector<1024x128xi32>
    %shift_left3A_197 = arith.constant 24 : i32
    %shift_left3A_198 = vector.broadcast %shift_left3A_197 : i32 to vector<1024x128xi32>
    %shift_left3A_199 = arith.shli %xor3A_195, %shift_left3A_198 : vector<1024x128xi32>
    %shift_right_logical3A_200 = arith.constant 8 : i32
    %shift_right_logical3A_201 = vector.broadcast %shift_right_logical3A_200 : i32 to vector<1024x128xi32>
    %shift_right_logical3A_202 = arith.shrui %xor3A_195, %shift_right_logical3A_201 : vector<1024x128xi32>
    %or3A_203 = arith.ori %shift_left3A_199, %shift_right_logical3A_202 : vector<1024x128xi32>
    %xor3A_204 = arith.xori %add3A_196, %or3A_203 : vector<1024x128xi32>
    %add3A_205 = arith.constant 42 : i32
    %add3A_206 = vector.broadcast %add3A_205 : i32 to vector<1024x128xi32>
    %add3A_207 = arith.addi %add3A_196, %add3A_206 : vector<1024x128xi32>
    %add3A_208 = arith.constant 466689008 : i32
    %add3A_209 = vector.broadcast %add3A_208 : i32 to vector<1024x128xi32>
    %add3A_210 = arith.addi %xor3A_204, %add3A_209 : vector<1024x128xi32>
    %add3A_211 = arith.constant 4 : i32
    %add3A_212 = vector.broadcast %add3A_211 : i32 to vector<1024x128xi32>
    %add3A_213 = arith.addi %add3A_210, %add3A_212 : vector<1024x128xi32>
    %add3A_214 = arith.addi %add3A_207, %add3A_213 : vector<1024x128xi32>
    %shift_left3A_215 = arith.constant 13 : i32
    %shift_left3A_216 = vector.broadcast %shift_left3A_215 : i32 to vector<1024x128xi32>
    %shift_left3A_217 = arith.shli %add3A_213, %shift_left3A_216 : vector<1024x128xi32>
    %shift_right_logical3A_218 = arith.constant 19 : i32
    %shift_right_logical3A_219 = vector.broadcast %shift_right_logical3A_218 : i32 to vector<1024x128xi32>
    %shift_right_logical3A_220 = arith.shrui %add3A_213, %shift_right_logical3A_219 : vector<1024x128xi32>
    %or3A_221 = arith.ori %shift_left3A_217, %shift_right_logical3A_220 : vector<1024x128xi32>
    %xor3A_222 = arith.xori %add3A_214, %or3A_221 : vector<1024x128xi32>
    %add3A_223 = arith.addi %add3A_214, %xor3A_222 : vector<1024x128xi32>
    %shift_left3A_224 = arith.constant 15 : i32
    %shift_left3A_225 = vector.broadcast %shift_left3A_224 : i32 to vector<1024x128xi32>
    %shift_left3A_226 = arith.shli %xor3A_222, %shift_left3A_225 : vector<1024x128xi32>
    %shift_right_logical3A_227 = arith.constant 17 : i32
    %shift_right_logical3A_228 = vector.broadcast %shift_right_logical3A_227 : i32 to vector<1024x128xi32>
    %shift_right_logical3A_229 = arith.shrui %xor3A_222, %shift_right_logical3A_228 : vector<1024x128xi32>
    %or3A_230 = arith.ori %shift_left3A_226, %shift_right_logical3A_229 : vector<1024x128xi32>
    %xor3A_231 = arith.xori %add3A_223, %or3A_230 : vector<1024x128xi32>
    %add3A_232 = arith.addi %add3A_223, %xor3A_231 : vector<1024x128xi32>
    %shift_left3A_233 = arith.constant 26 : i32
    %shift_left3A_234 = vector.broadcast %shift_left3A_233 : i32 to vector<1024x128xi32>
    %shift_left3A_235 = arith.shli %xor3A_231, %shift_left3A_234 : vector<1024x128xi32>
    %shift_right_logical3A_236 = arith.constant 6 : i32
    %shift_right_logical3A_237 = vector.broadcast %shift_right_logical3A_236 : i32 to vector<1024x128xi32>
    %shift_right_logical3A_238 = arith.shrui %xor3A_231, %shift_right_logical3A_237 : vector<1024x128xi32>
    %or3A_239 = arith.ori %shift_left3A_235, %shift_right_logical3A_238 : vector<1024x128xi32>
    %xor3A_240 = arith.xori %add3A_232, %or3A_239 : vector<1024x128xi32>
    %add3A_241 = arith.addi %add3A_232, %xor3A_240 : vector<1024x128xi32>
    %shift_left3A_242 = arith.constant 6 : i32
    %shift_left3A_243 = vector.broadcast %shift_left3A_242 : i32 to vector<1024x128xi32>
    %shift_left3A_244 = arith.shli %xor3A_240, %shift_left3A_243 : vector<1024x128xi32>
    %shift_right_logical3A_245 = arith.constant 26 : i32
    %shift_right_logical3A_246 = vector.broadcast %shift_right_logical3A_245 : i32 to vector<1024x128xi32>
    %shift_right_logical3A_247 = arith.shrui %xor3A_240, %shift_right_logical3A_246 : vector<1024x128xi32>
    %or3A_248 = arith.ori %shift_left3A_244, %shift_right_logical3A_247 : vector<1024x128xi32>
    %xor3A_249 = arith.xori %add3A_241, %or3A_248 : vector<1024x128xi32>
    %add3A_250 = arith.constant 466689008 : i32
    %add3A_251 = vector.broadcast %add3A_250 : i32 to vector<1024x128xi32>
    %add3A_252 = arith.addi %add3A_241, %add3A_251 : vector<1024x128xi32>
    %add3A_253 = arith.constant 0 : i32
    %add3A_254 = vector.broadcast %add3A_253 : i32 to vector<1024x128xi32>
    %add3A_255 = arith.addi %xor3A_249, %add3A_254 : vector<1024x128xi32>
    %add3A_256 = arith.constant 5 : i32
    %add3A_257 = vector.broadcast %add3A_256 : i32 to vector<1024x128xi32>
    %add3A_258 = arith.addi %add3A_255, %add3A_257 : vector<1024x128xi32>
    %xor3A_259 = arith.xori %add3A_252, %add3A_258 : vector<1024x128xi32>
    %shift_right_logical3A_260 = arith.constant 9 : i32
    %shift_right_logical3A_261 = vector.broadcast %shift_right_logical3A_260 : i32 to vector<1024x128xi32>
    %shift_right_logical3A_262 = arith.shrui %xor3A_259, %shift_right_logical3A_261 : vector<1024x128xi32>
    %or3A_263 = arith.constant 1065353216 : i32
    %or3A_264 = vector.broadcast %or3A_263 : i32 to vector<1024x128xi32>
    %or3A_265 = arith.ori %shift_right_logical3A_262, %or3A_264 : vector<1024x128xi32>
    %bitcast_convert_type3A = tpu.bitcast %or3A_265 : vector<1024x128xi32> -> vector<1024x128xf32>
    %sub3A = arith.constant 1.000000e+00 : f32
    %sub3A_266 = vector.broadcast %sub3A : f32 to vector<1024x128xf32>
    %sub3A_267 = arith.subf %bitcast_convert_type3A, %sub3A_266 : vector<1024x128xf32>
    %sub3A_268 = arith.constant 1.000000e+00 : f32
    %sub3A_269 = arith.constant 1.17549435E-38 : f32
    %sub3A_270 = arith.subf %sub3A_268, %sub3A_269 : f32
    %mul3A_271 = vector.broadcast %sub3A_270 : f32 to vector<1024x128xf32>
    %mul3A_272 = arith.mulf %sub3A_267, %mul3A_271 : vector<1024x128xf32>
    %add3A_273 = arith.constant 1.17549435E-38 : f32
    %add3A_274 = vector.broadcast %add3A_273 : f32 to vector<1024x128xf32>
    %add3A_275 = arith.addf %mul3A_272, %add3A_274 : vector<1024x128xf32>
    %max3A = arith.constant 1.17549435E-38 : f32
    %max3A_276 = vector.broadcast %max3A : f32 to vector<1024x128xf32>
    %max3A_277 = arith.maximumf %max3A_276, %add3A_275 : vector<1024x128xf32>
    %log3A = math.log %max3A_277 : vector<1024x128xf32>
    %neg3A = arith.constant 0.000000e+00 : f32
    %neg3A_278 = vector.broadcast %neg3A : f32 to vector<1024x128xf32>
    %neg3A_279 = arith.subf %neg3A_278, %log3A : vector<1024x128xf32>
    %log3A_280 = math.log %neg3A_279 : vector<1024x128xf32>
    %neg3A_281 = arith.constant 0.000000e+00 : f32
    %neg3A_282 = vector.broadcast %neg3A_281 : f32 to vector<1024x128xf32>
    %neg3A_283 = arith.subf %neg3A_282, %log3A_280 : vector<1024x128xf32>
    %jit3A = arith.constant 0xFF800000 : f32
    %broadcast_in_dim3A_284 = vector.broadcast %jit3A : f32 to vector<1024x128xf32>
    %select_n3A = arith.select %broadcast_in_dim3A_24, %neg3A_283, %broadcast_in_dim3A_284 : vector<1024x128xi1>, vector<1024x128xf32>
    %swap3A = arith.constant 0 : index
    %swap3A_285 = arith.constant 0 : index
    %swap3A_286 = vector.load %arg2[%swap3A, %swap3A_285] : memref<1024x128xf32, #tpu.memory_space<vmem>>, vector<1024x128xf32>
    tpu.vector_store %arg2[%swap3A, %swap3A_285], %select_n3A {strides = array<i32>} : memref<1024x128xf32, #tpu.memory_space<vmem>>, vector<1024x128xf32>,
    %convert_element_type3A = arith.extui %and3A_22 : vector<1024x1xi1> to vector<1024x1xi32>
    %swap3A_287 = arith.constant 0 : index
    %swap3A_288 = arith.constant 0 : index
    %swap3A_289 = vector.load %arg3[%swap3A_287, %swap3A_288] : memref<1024x1xi32, #tpu.memory_space<vmem>>, vector<1024x1xi32>
    tpu.vector_store %arg3[%swap3A_287, %swap3A_288], %convert_element_type3A {strides = array<i32>} : memref<1024x1xi32, #tpu.memory_space<vmem>>, vector<1024x1xi32>,
    return
  }
}

</mosaic_0001>

<sc_bundles>
// kernel: kernel.5.cloned.1.call-start
scs
__scs_entry_jumppad:
0x0: {  	(pc) =	sbr.rel $0x88, $3  }
0x1: {  	(tag) =	ssettag $0x0;
	lr =	simm.s32 $0x1  }
0x2: {  	[smem:$0x3F9F] =	sst lr;
	_ =	strace $0xD0000000  }
0x3: {  	_ = 	snop  }
0x4: {  	_ = 	snop  }
0x5: {  	_ = 	snop  }
0x6: {  	_ = 	snop  }
0x7: {  	_ = 	snop  }
__scs_overlays_trampoline_lowered:
0x8: {  	[smem:$0x3FAE] =	sst s0  }
0x9: {  	[smem:$0x3FAF] =	sst s1  }
0xa: {  	[smem:$0x3FB0] =	sst s2  }
0xb: {  	[smem:$0x3FB1] =	sst s3  }
0xc: {  	[smem:$0x3FB2] =	sst s4  }
0xd: {  	[smem:$0x3FB3] =	sst s5  }
0xe: {  	[smem:$0x3FB4] =	sst s6  }
0xf: {  	[smem:$0x3FB5] =	sst s7  }
0x10: {  	[smem:$0x3FB6] =	sst s8  }
0x11: {  	[smem:$0x3FB7] =	sst s9;
	s0 =	simm.s32 @!p0 $0x0  }
0x12: {  	s1 =	sld [smem:$0x3F9D];
	s0 =	simm.s32 @p0 $0x1  }
0x13: {  	[smem:$0x3FB8] =	sst s0;
	s0 =	simm.s32 @!p1 $0x0  }
0x14: {  	s2 =	sld [smem:$0x3F9C];
	s0 =	simm.s32 @p1 $0x1  }
0x15: {  	[smem:$0x3FB9] =	sst s0;
	s0 =	simm.s32 @!p2 $0x0  }
0x16: {  	s3 =	sld [smem:$0x3FDB];
	s0 =	simm.s32 @p2 $0x1  }
0x17: {  	s4 =	simm.s32 $0x1BF5;
	[smem:$0x3FBB] =	sst s0  }
0x18: {  	s0 =	sld [smem:$0x3F9E];
	_ =	swait.ge [sflag:s4], $0x0  }
0x19: {  	s7 =	sld [smem:$0x3F9F]  }
0x1a: {  	s8 =	sadd.s32 $0xFFFFE003, lr  }
0x1b: {  	s9 =	sadd.s32 $0xFFFFFEF7, lr;
	s5 =	simm.s32 $0xFFFFFFFF;
	p2 =	slt.u32 s8, $0xFFFFF086  }
0x1c: {  	p1 =	slt.u32 s9, $0xF7A;
	s5 =	simm.s32 @!p2 $0x0  }
0x1d: {  	s5 =	simm.s32 @p1 $0x1;
	p0 =	seq.s32 s7, s2  }
0x1e: {  	s7 =	smul.u32 @!p0 $0xF7A, s2;
	p2 =	seq.s32 @!p0 s5, $0x0  }
0x1f: {  	s9 =	smul.u32 $0xF7A, s1;
	s8 =	simm.s32 @!p0 $0x1BF5;
	p2 =	por !p2, p0  }
0x20: {  	[sflag:s8] =	ssyncset.s32 @!p0 $0xFFFFF086;
	s6 =	sadd.s32 @!p0 s3, s7;
	s7 =	simm.s32 @!p0 $0x108  }
0x21: {  	s3 =	sadd.s32 s3, s9;
	s6 =	sadd.s32 @!p0 $0x88, s6;
	s7 =	simm.s32 @p2 $0x1082  }
0x22: {  	[simem:s7], [sflag:s8] =	dma.local @!p0 [hbm:s6], $0xF7A  }
0x23: {  	s9 =	sor.u32 $0xD0000000, s2;
	s6 =	simm.s32 $0x108;
	_ =	swait.ge @!p0 [sflag:s8], $0x0  }
0x24: {  	s3 =	sadd.s32 $0x88, s3;
	s6 =	simm.s32 @!p1 $0x1082;
	[sflag:s4] =	ssyncset.s32 $0xFFFFF086  }
0x25: {  	[simem:s6], [sflag:s4] =	dma.local [hbm:s3], $0xF7A  }
0x26: {  	[smem:$0x3F9F] =	sst s1;
	(tag) =	ssettag s2;
	_ =	strace s9  }
0x27: {  	s1 =	sld [smem:$0x3FAF]  }
0x28: {  	s2 =	sld [smem:$0x3FB0]  }
0x29: {  	s4 =	sld [smem:$0x3FB2]  }
0x2a: {  	p0 =	seq.s32 s5, $0x0;
	s5 =	sld [smem:$0x3FB3]  }
0x2b: {  	s6 =	sld [smem:$0x3FB4]  }
0x2c: {  	s7 =	sld [smem:$0x3FB5]  }
0x2d: {  	s3 =	simm.s32 $0x108;
	s8 =	sld [smem:$0x3FB6]  }
0x2e: {  	s3 =	simm.s32 @!p0 $0x1082;
	s9 =	sld [smem:$0x3FB7]  }
0x2f: {  	lr =	sadd.s32 s0, s3;
	s0 =	sld [smem:$0x3FAE]  }
0x30: {  	s3 =	sld [smem:$0x3FB1]  }
0x31: {  	[smem:$0x3FBA] =	sst s10  }
0x32: {  	s10 =	sld [smem:$0x3FB8];
	_ =	sdelay $0x3  }
0x33: {  	p0 =	seq.s32 s10, $0x1;
	s10 =	sld [smem:$0x3FBA];
	_ =	sdelay $0x3  }
0x34: {  	[smem:$0x3FBA] =	sst s10  }
0x35: {  	s10 =	sld [smem:$0x3FB9];
	_ =	sdelay $0x3  }
0x36: {  	p1 =	seq.s32 s10, $0x1;
	s10 =	sld [smem:$0x3FBA];
	_ =	sdelay $0x3  }
0x37: {  	[smem:$0x3FBA] =	sst s10  }
0x38: {  	s10 =	sld [smem:$0x3FBB]  }
0x39: {  	_ = 	snop;
	(pc) =	sbr.ind lr, $3  }
0x3a: {  	_ = 	snop  }
0x3b: {  	_ = 	snop  }
0x3c: {  	p2 =	seq.s32 s10, $0x1;
	s10 =	sld [smem:$0x3FBA]  }
0x3d: {  	_ =	shalt  }
0x3e: {  	_ =	shalt  }
0x3f: {  	_ =	shalt  }
0x40: {  	_ =	shalt  }
0x41: {  	_ =	shalt  }
0x42: {  	_ =	shalt  }
0x43: {  	_ =	shalt  }
0x44: {  	_ =	shalt  }
0x45: {  	_ =	shalt  }
0x46: {  	_ =	shalt  }
0x47: {  	_ =	shalt  }
0x48: {  	_ =	shalt  }
0x49: {  	_ =	shalt  }
0x4a: {  	_ =	shalt  }
0x4b: {  	_ =	shalt  }
0x4c: {  	_ =	shalt  }
0x4d: {  	_ =	shalt  }
0x4e: {  	_ =	shalt  }
0x4f: {  	_ =	shalt  }
0x50: {  	_ =	shalt  }
0x51: {  	_ =	shalt  }
0x52: {  	_ =	shalt  }
0x53: {  	_ =	shalt  }
0x54: {  	_ =	shalt  }
0x55: {  	_ =	shalt  }
0x56: {  	_ =	shalt  }
0x57: {  	_ =	shalt  }
0x58: {  	_ =	shalt  }
0x59: {  	_ =	shalt  }
0x5a: {  	_ =	shalt  }
0x5b: {  	_ =	shalt  }
0x5c: {  	_ =	shalt  }
0x5d: {  	_ =	shalt  }
0x5e: {  	_ =	shalt  }
0x5f: {  	_ =	shalt  }
0x60: {  	_ =	shalt  }
0x61: {  	_ =	shalt  }
0x62: {  	_ =	shalt  }
0x63: {  	_ =	shalt  }
0x64: {  	_ =	shalt  }
0x65: {  	_ =	shalt  }
0x66: {  	_ =	shalt  }
0x67: {  	_ =	shalt  }
0x68: {  	_ =	shalt  }
0x69: {  	_ =	shalt  }
0x6a: {  	_ =	shalt  }
0x6b: {  	_ =	shalt  }
0x6c: {  	_ =	shalt  }
0x6d: {  	_ =	shalt  }
0x6e: {  	_ =	shalt  }
0x6f: {  	_ =	shalt  }
0x70: {  	_ =	shalt  }
0x71: {  	_ =	shalt  }
0x72: {  	_ =	shalt  }
0x73: {  	_ =	shalt  }
0x74: {  	_ =	shalt  }
0x75: {  	_ =	shalt  }
0x76: {  	_ =	shalt  }
0x77: {  	_ =	shalt  }
0x78: {  	_ =	shalt  }
0x79: {  	_ =	shalt  }
0x7a: {  	_ =	shalt  }
0x7b: {  	_ =	shalt  }
0x7c: {  	_ =	shalt  }
0x7d: {  	_ =	shalt  }
0x7e: {  	_ =	shalt  }
0x7f: {  	_ =	shalt  }
0x80: {  	_ =	shalt  }
0x81: {  	_ =	shalt  }
0x82: {  	_ =	shalt  }
0x83: {  	_ =	shalt  }
0x84: {  	_ =	shalt  }
0x85: {  	_ =	shalt  }
0x86: {  	_ =	shalt  }
0x87: {  	_ =	shalt  }
.Lfunc_end0:
.L_simem_size_0:
called_computation_lowered:
.L_overlay_start_0:
0x88: {  	s2 =	sld [smem:$0x3FD9]  }
0x89: {  	s3 =	sld [smem:$0x3FFE];
	_ =	sdelay $0x1  }
0x8a: {  	s1 =	srdreg.scid  }
0x8b: {  	s0 =	sand.u32 $0x1, s1  }
0x8c: {  	s17 =	sshll.u32 s0, $0xA;
	s2 =	sadd.s32 s3, s2  }
0x8d: {  	s2 =	sadd.s32 s2, s17  }
0x8e: {  	[smem:$0x3FC6] =	sst s2  }
0x8f: {  	_ = 	snop  }
0x90: {  	s2 =	sld [smem:$0x3FC9]  }
0x91: {  	s18 =	sld [smem:$0x3FC8];
	(tm) =	ssettm $0x1  }
0x92: {  	s4 =	sld [smem:$0x3FFB];
	_ =	sdelay $0x3  }
0x93: {  	_ =	strace s4  }
0x94: {  	s4 =	sld [smem:$0x3FFC];
	_ =	sdelay $0x3  }
0x95: {  	_ =	strace s4  }
0x96: {  	s4 =	sld [smem:$0x3FFD];
	_ =	sdelay $0x3  }
0x97: {  	_ =	strace s4  }
0x98: {  	_ =	strace $0x8FFFFFFF  }
0x99: {  	s19 =	sld [smem:$0x3FDB];
	_ =	sdelay $0x1  }
0x9a: {  	s5 =	simm.s32 $_scs_section_size  }
0x9b: {  	s6 =	simm.s32 $_size__tile_overlayer_lowered;
	s7 =	simm.s32 $_tile_overlayer_lowered  }
0x9c: {  	s22 =	simm.s32 $0x1BFF;
	s21 =	sshll.u32 s7, $0x1;
	s4 =	sadd.s32 s5, s19  }
0x9d: {  	s8 =	simm.s32 $0x0;
	s20 =	sshll.u32 s6, $0x1;
	s6 =	sadd.s32 s21, s4  }
0x9e: {  	[timem:s8], [sflag:s22] =	dma.local [hbm:s6], s20  }
0x9f: {  	_ =	swait.ge [sflag:s22], s20  }
0xa0: {  	s5 =	ssub.s32 $0x0, s20;
	[sflag:s22] =	ssyncset.done $0x0  }
0xa1: {  	[sflag:s22] =	ssyncadd.s32 s5;
	_ =	sdelay $0x1  }
0xa2: {  	s23 =	simm.s32 $0x1B8B  }
0xa3: {  	_ =	swait.ge [sflag:s23], $0x1  }
0xa4: {  	[sflag:s23] =	ssyncset.done $0x0  }
0xa5: {  	s25 =	simm.s32 $0x1B8E;
	s24 =	sld [smem:$0x3FFE];
	[sflag:s23] =	ssyncadd.s32 $0xFFFFFFFF  }
0xa6: {  	s26 =	simm.s32 $execute0_lowered;
	[smem:$0x3FD2] =	sst s25  }
0xa7: {  	s6 =	sshll.u32 s26, $0x1;
	_ =	strace $0x80000046;
	[dreg:$0x1] =	wrdreg $0xFFFFFFFF  }
0xa8: {  	s28 =	simm.s32 $_size_execute0_lowered;
	s4 =	sadd.s32 s4, s6;
	[dreg:$0x0] =	wrdreg $0x0  }
0xa9: {  	s6 =	sshll.u32 s28, $0x1;
	[dreg:$0x2] =	wrdreg s4  }
0xaa: {  	[dreg:$0x3] =	wrdreg s6  }
0xab: {  	[dreg:$0x4] =	wrdreg $0xC0  }
0xac: {  	_ =	task [dreg:s8], $0x5FFFF  }
0xad: {  	[dreg:$0x1] =	wrdreg $0xFFFFFFFF  }
0xae: {  	[dreg:$0x0] =	wrdreg $0x60  }
0xaf: {  	[dreg:$0x2] =	wrdreg s2  }
0xb0: {  	[dreg:$0x3] =	wrdreg s18  }
0xb1: {  	[dreg:$0x4] =	wrdreg s24  }
0xb2: {  	[dreg:$0x5] =	wrdreg $0x9  }
0xb3: {  	_ =	task.clear_ibuf [dreg:s8], $0x6FFFF;
	_ =	strace $0x90000046  }
0xb4: {  	s29 =	simm.s32 $0x9;
	_ =	strace $0x80000048  }
0xb5: {  	_ =	swait.ge [sflag:s29], $0x1  }
0xb6: {  	[sflag:s29] =	ssyncadd.s32 $0xFFFFFFFF  }
0xb7: {  	_ =	strace $0x90000048  }
0xb8: {  	_ =	sfence  }
0xb9: {  	s30 =	sld [smem:$0x0];
	_ =	sdelay $0x2  }
0xba: {  	s31 =	sshll.u32 s1, $0xD;
	s1 =	sshrl.u32 s1, $0x2  }
0xbb: {  	s3 =	sand.u32 $0x4000, s31;
	s1 =	sadd.s32 s1, s30  }
0xbc: {  	s0 =	sor.u32 s3, s0;
	s1 =	sshll.u32 s1, $0x11  }
0xbd: {  	s0 =	sor.u32 s1, s0  }
0xbe: {  	s0 =	sadd.s32 $0x8F2B, s0  }
0xbf: {  	[sflag:s0] =	ssyncadd.remote.s32 $0x1  }
0xc0: {  	_ =	sfence.sel $0xFFFF  }
0xc1: {  	[dreg:$0x0] =	wrdreg $0xFFFFFFFF;
	(pc) =	sbr.abs _section_cstart, $3  }
0xc2: {  	[dreg:$0x1] =	wrdreg $0xFFFFFFFF  }
0xc3: {  	_ =	task.clear_ibuf [dreg:s8], $0x2FFFF;
	_ =	strace $0x9FFFFFFF  }
0xc4: {  	(tm) =	ssettm $0x7FFFFFFF  }
0xc5: {  	_ =	shalt  }
tec
execute0_lowered:
.L_overlay_start_1:
0x0: {  	(tag) =	ssettag $0x1  }
0x1: {  	s6 =	srdreg.scid;
	s1 =	stileid.u32  }
0x2: {  	s6 =	sand.u32 $0x1, s6;
	s7 =	sshll.u32 s1, $0x1  }
0x3: {  	s7 =	sor.u32 s6, s7;
	s6 =	ssub.s32 $0x2, s6  }
0x4: {  	s9 =	sshrl.u32 s6, $0x1  }
0x5: {  	s5 =	rddreg [dreg:$0x2];
	s8 =	sshll.u32 s7, $0x9;
	s30 =	ssub.s32 s6, s9  }
0x6: {  	s5 =	sadd.s32 s8, s5;
	s8 =	smax.u32 s30, $0x1  }
0x7: {  	s2 =	rddreg [dreg:$0x0];
	s15 =	sadd.s32 $0xFFFFFFFF, s8  }
0x8: {  	s4 =	rddreg [dreg:$0x1];
	p2 =	sne.s32 s15, $0x0  }
.Ltmp0:
0x9: {  	s0 =	rddreg [dreg:$0x3];
	s3 =	simm.s32 $0x0;
	(pc) =	sbr.rel @!p2 .LBB2_3-.Ltmp0, $4  }
0xa: {  	p1 =	por $0x0, $0x0;
	[smem:$0x7FF] =	sst s3;
	s10 =	sadd.s32 $0x7C, s4  }
0xb: {  	_ =	strace $0x80000047;
	s31 =	sshll.u32 s7, $0x2;
	p0 =	seq.s32 s7, $0x1F  }
0xc: {  	s7 =	simm.s32 $0x2;
	s6 =	sadd.s32 s4, s31;
	s9 =	simm.s32 $0x1  }
0xd: {  	vm0 =	vmmov @p0 $0xff;
	s4 =	sadd.s32 $0xC00, s5;
	s5 =	simm.s32 $0x80;
	s8 =	simm.s32 $0x20  }
0xe: {  	s11 =	simm.s32 @p0 $0x0;
	s12 =	simm.s32 @p0 $0x2  }
0xf: {  	[tilespmem:s11], [sflag:$0x2] =	stream.linear.gather @p0 [hbm4b:s10+s11], $0x8, $0x38;
	[tilespmem:$0x1080] =	vst v63  }
0x10: {  	_ =	swait.ge @p0 [sflag:s12], $0x8  }
0x11: {  	[sflag:s12] =	ssyncset.done @p0 $0x0  }
0x12: {  	[sflag:s12] =	ssyncadd.s32 @p0 $0xFFFFFFF8  }
0x13: {  	v1 =	vld @p0 [tilespmem:$0x0];
	_ =	sdelay $0x3  }
0x14: {  	v0 =	vimm.s32 @p0 $0x1869F  }
0x15: {  	[tilespmem:$0x10] =	vst @p0 v0;
	v1 =	vnsel @p0 vm0, $0x1869F, v1  }
0x16: {  	s13 =	simm.s32 @!p0 $0x0;
	s14 =	simm.s32 @!p0 $0x2;
	[tilespmem:$0x0] =	vst @p0 v1  }
0x17: {  	[tilespmem:s13], [sflag:$0x2] =	stream.linear.gather @!p0 [hbm4b:s6+s13], $0x20, $0x38;
	[tilespmem:$0x1080] =	vst v63  }
0x18: {  	_ =	swait.ge @!p0 [sflag:s14], $0x20  }
0x19: {  	[sflag:s14] =	ssyncset.done @!p0 $0x0  }
0x1a: {  	s15 =	sadd.s32 $0xFFFFFFFF, s15;
	[sflag:s14] =	ssyncadd.s32 @!p0 $0xFFFFFFE0  }
0x1b: {  	[tilespmem:s5], [sflag:$0x1] =	stream.indirect.gather [hbm4b:s2+s8], $0x80, s3, s8, $0xb8;
	[tilespmem:$0x1080] =	vst v63  }
0x1c: {  	p2 =	sne.s32 s15, $0x0;
	_ =	swait.ge [sflag:s9], $0x1000  }
.Ltmp1:
0x1d: {  	[sflag:s9] =	ssyncset.done $0x0;
	(pc) =	sbr.rel @!p2 .LBB2_3-.Ltmp1, $4  }
0x1e: {  	[sflag:s9] =	ssyncadd.s32 $0xFFFFF000  }
0x1f: {  	[hbm4b:s4+s3] =	stream.linear.scatter [tilespmem:s5], [sflag:$0x2], $0x1000, $0x38;
	[tilespmem:$0x1080] =	vst v63  }
0x20: {  	_ =	swait.ge [sflag:s7], $0x1000  }
0x21: {  	p1 =	por $0x1, $0x1;
	[sflag:s7] =	ssyncset.done $0x0  }
.LBB2_2:
0x22: {  	[sflag:s7] =	ssyncadd.s32 $0xFFFFF000  }
0x23: {  	[tilespmem:s11], [sflag:$0x2] =	stream.linear.gather @p0 [hbm4b:s10+s11], $0x8, $0x38;
	[tilespmem:$0x1080] =	vst v63  }
0x24: {  	s15 =	sadd.s32 $0xFFFFFFFF, s15;
	_ =	swait.ge @p0 [sflag:s12], $0x8  }
0x25: {  	p2 =	sne.s32 s15, $0x0;
	[sflag:s12] =	ssyncset.done @p0 $0x0  }
0x26: {  	[sflag:s12] =	ssyncadd.s32 @p0 $0xFFFFFFF8  }
0x27: {  	v1 =	vld @p0 [tilespmem:$0x0];
	[tilespmem:$0x10] =	vst @p0 v0;
	_ =	sdelay $0x4  }
0x28: {  	v1 =	vnsel @p0 vm0, $0x1869F, v1  }
0x29: {  	[tilespmem:$0x0] =	vst @p0 v1  }
0x2a: {  	[tilespmem:s13], [sflag:$0x2] =	stream.linear.gather @!p0 [hbm4b:s6+s13], $0x20, $0x38;
	[tilespmem:$0x1080] =	vst v63  }
0x2b: {  	_ =	swait.ge @!p0 [sflag:s14], $0x20  }
0x2c: {  	[sflag:s14] =	ssyncset.done @!p0 $0x0  }
0x2d: {  	[sflag:s14] =	ssyncadd.s32 @!p0 $0xFFFFFFE0  }
0x2e: {  	[tilespmem:s5], [sflag:$0x1] =	stream.indirect.gather [hbm4b:s2+s8], $0x80, s3, s8, $0xb8;
	[tilespmem:$0x1080] =	vst v63  }
0x2f: {  	_ =	swait.ge [sflag:s9], $0x1000  }
.Ltmp2:
0x30: {  	[sflag:s9] =	ssyncset.done $0x0;
	(pc) =	sbr.rel @p2 .LBB2_2-.Ltmp2, $4  }
0x31: {  	[sflag:s9] =	ssyncadd.s32 $0xFFFFF000  }
0x32: {  	[hbm4b:s4+s3] =	stream.linear.scatter [tilespmem:s5], [sflag:$0x2], $0x1000, $0x38;
	[tilespmem:$0x1080] =	vst v63  }
0x33: {  	_ =	swait.ge [sflag:s7], $0x1000  }
0x34: {  	[sflag:s7] =	ssyncset.done $0x0  }
.LBB2_3:
0x35: {  	s11 =	simm.s32 @p0 $0x0;
	s12 =	simm.s32 @p0 $0x2;
	[sflag:s7] =	ssyncadd.s32 @p1 $0xFFFFF000  }
0x36: {  	[tilespmem:s11], [sflag:$0x2] =	stream.linear.gather @p0 [hbm4b:s10+s11], $0x8, $0x38;
	[tilespmem:$0x1080] =	vst v63  }
0x37: {  	_ =	swait.ge @p0 [sflag:s12], $0x8  }
0x38: {  	[sflag:s12] =	ssyncset.done @p0 $0x0  }
0x39: {  	[sflag:s12] =	ssyncadd.s32 @p0 $0xFFFFFFF8  }
0x3a: {  	v0 =	vld @p0 [tilespmem:$0x0];
	_ =	sdelay $0x3  }
0x3b: {  	v1 =	vimm.s32 @p0 $0x1869F  }
0x3c: {  	[tilespmem:$0x10] =	vst @p0 v1;
	v0 =	vnsel @p0 vm0, $0x1869F, v0  }
0x3d: {  	s10 =	simm.s32 @!p0 $0x0;
	s11 =	simm.s32 @!p0 $0x2;
	[tilespmem:$0x0] =	vst @p0 v0  }
0x3e: {  	[tilespmem:s10], [sflag:$0x2] =	stream.linear.gather @!p0 [hbm4b:s6+s10], $0x20, $0x38;
	[tilespmem:$0x1080] =	vst v63  }
0x3f: {  	_ =	swait.ge @!p0 [sflag:s11], $0x20  }
0x40: {  	[sflag:s11] =	ssyncset.done @!p0 $0x0  }
0x41: {  	[sflag:s11] =	ssyncadd.s32 @!p0 $0xFFFFFFE0  }
0x42: {  	[tilespmem:s5], [sflag:$0x1] =	stream.indirect.gather [hbm4b:s2+s8], $0x80, s3, s8, $0xb8;
	[tilespmem:$0x1080] =	vst v63  }
0x43: {  	_ =	swait.ge [sflag:s9], $0x1000  }
0x44: {  	[sflag:s9] =	ssyncset.done $0x0  }
0x45: {  	[sflag:s9] =	ssyncadd.s32 $0xFFFFF000  }
0x46: {  	[hbm4b:s4+s3] =	stream.linear.scatter [tilespmem:s5], [sflag:$0x2], $0x1000, $0x38;
	[tilespmem:$0x1080] =	vst v63  }
0x47: {  	_ =	swait.ge [sflag:s7], $0x1000  }
0x48: {  	[sflag:s7] =	ssyncset.done $0x0  }
0x49: {  	[sflag:s7] =	ssyncadd.s32 $0xFFFFF000  }
0x4a: {  	_ =	sfence.sel $0x180000  }
0x4b: {  	[bflag:$0x0] =	sbarrier.arrive $0xFFFF  }
0x4c: {  	p0 =	sne.s32 s1, $0x0;
	_ =	strace $0x90000047  }
0x4d: {  	s0 =	sadd.s32 @!p0 $0x100000, s0;
	[bflag:$0x2] =	sbarrier.arrive $0xFFFF  }
0x4e: {  	[sflag:s0] =	ssyncadd.tile.s32 @!p0 $0x1;
	_ =	shalt  }
.Lfunc_end2:
_tile_overlayer_lowered:
.L_overlay_start_2:
0x4f: {  	(tag) =	ssettag $0x2  }
0x50: {  	s0 =	rddreg [dreg:$0x0];
	s2 =	stileid.u32  }
0x51: {  	s1 =	rddreg [dreg:$0x1];
	p0 =	sne.s32 s2, $0x0  }
0x52: {  	s3 =	rddreg [dreg:$0x2];
	[bflag:$0x3] =	sbarrier.arrive $0xFFFF;
	s2 =	simm.s32 @!p0 $0x1C02  }
0x53: {  	[timem:s3], [sflag:s2] =	dma.local @!p0 [hbm:s0], s1  }
0x54: {  	s0 =	simm.s32 @!p0 $0x2  }
0x55: {  	_ =	swait.ge @!p0 [sflag:s0], s1  }
0x56: {  	s1 =	ssub.s32 @!p0 $0x0, s1;
	[sflag:s0] =	ssyncset.done @!p0 $0x0  }
0x57: {  	[sflag:s0] =	ssyncadd.s32 @!p0 s1  }
0x58: {  	[bflag:$0x3] =	sbarrier.arrive $0xFFFF  }
0x59: {  	_ =	shalt  }

</sc_bundles>
